<compile_context>
chip_gen: v7x
topology: tpu7x:2x2x1
jax: 0.10.2.dev20260603
libtpu: 0.0.44.dev20260713+nightly
codegen_flags: <defaults>
</compile_context>

<pallas_src>
import functools

import jax
import jax.numpy as jnp
from jax.experimental import pallas as pl
from jax.experimental.pallas import tpu as pltpu

_CHUNK = 128
_CUT = 0.05


def _norm_kernel(mcol_ref, ei_ref, ej_ref, eo_ref, fo_ref):
    m = mcol_ref[0].astype(jnp.float32)
    for src, dst in ((ei_ref, eo_ref), (ej_ref, fo_ref)):
        e = src[...]
        dst[...] = e * (m / jnp.maximum(
            jnp.sqrt(jnp.sum(e * e, axis=1, keepdims=True)), 1e-8))


def _lr_kernel(nv_ref, ei_ref, ej_ref, posj_ref, xj_ref, xi_ref, out_ref,
               wbuf_ref, accy_ref, num_ref, *, blk, batch, nb):
    i = pl.program_id(0)
    j = pl.program_id(1)
    p = jax.lax.rem(i * (nb + 1) + j, 2)
    nv = nv_ref[0]

    @pl.when((i == 0) & (j == 0))
    def _boot():
        wbuf_ref[1] = jnp.zeros_like(wbuf_ref[1])

    @pl.when(j == 0)
    def _zero_row():
        num_ref[...] = jnp.zeros_like(num_ref)
        accy_ref[...] = jnp.zeros_like(accy_ref)

    @pl.when((j > 0) & ((j - 1) * blk < nv))
    def _mix():
        w_prev = wbuf_ref[1 - p]
        for b in range(batch):
            accy_ref[b] += jnp.dot(w_prev, xj_ref[b],
                                   preferred_element_type=jnp.float32)

    @pl.when(j * blk < nv)
    def _gate():
        s = jnp.abs(jax.lax.dot_general(
            ei_ref[...], ej_ref[...], (((1,), (1,)), ((), ())),
            preferred_element_type=jnp.float32))
        pi = (i * blk +
              jax.lax.broadcasted_iota(jnp.int32, (blk, blk), 0)
              ).astype(jnp.float32)
        d = pi - posj_ref[0]
        keepf = jnp.where((jnp.abs(d) > _CHUNK) & (s > _CUT), 1.0, 0.0)
        wbuf_ref[p] = s * keepf
        num_ref[...] += jnp.sum(keepf, axis=1, keepdims=True)

    @pl.when(j == nb)
    def _fin():
        num = num_ref[...]
        xi = xi_ref[...]
        y = accy_ref[...] / jnp.maximum(num, 1.0)[None]
        out_ref[...] = jnp.where((num > 0.0)[None], (xi + y) * 0.5, xi)


@jax.jit
def kernel(x, mask, emb_i_weight, emb_j_weight):
    B, L, D = x.shape
    E = emb_i_weight.shape[1]
    blk = 512 if L % 512 == 0 else 128
    nb = L // blk
    mask_col = mask.reshape(nb, blk, 1)
    einorm, ejnorm = pl.pallas_call(
        _norm_kernel,
        grid=(nb,),
        in_specs=[
            pl.BlockSpec((1, blk, 1), lambda n: (n, 0, 0)),
            pl.BlockSpec((blk, E), lambda n: (n, 0)),
            pl.BlockSpec((blk, E), lambda n: (n, 0)),
        ],
        out_specs=[
            pl.BlockSpec((blk, E), lambda n: (n, 0)),
            pl.BlockSpec((blk, E), lambda n: (n, 0)),
        ],
        out_shape=[
            jax.ShapeDtypeStruct((L, E), jnp.float32),
            jax.ShapeDtypeStruct((L, E), jnp.float32),
        ],
    )(mask_col, emb_i_weight, emb_j_weight)
    valid = mask == 1
    nv = jnp.sum(valid).astype(jnp.int32).reshape(1)
    perm = jnp.argsort(jnp.logical_not(valid), stable=True)
    xg = jnp.take(x, perm, axis=1)
    ejg = jnp.take(ejnorm, perm, axis=0)
    posj = perm.astype(jnp.float32).reshape(nb, 1, blk)
    return pl.pallas_call(
        functools.partial(_lr_kernel, blk=blk, batch=B, nb=nb),
        grid=(nb, nb + 1),
        in_specs=[
            pl.BlockSpec(memory_space=pltpu.SMEM),
            pl.BlockSpec((blk, E), lambda i, j: (i, 0)),
            pl.BlockSpec((blk, E), lambda i, j: (jnp.minimum(j, nb - 1), 0)),
            pl.BlockSpec((1, 1, blk), lambda i, j: (jnp.minimum(j, nb - 1), 0, 0)),
            pl.BlockSpec((B, blk, D),
                         lambda i, j: (0, jnp.maximum(j, 1) - 1, 0)),
            pl.BlockSpec((B, blk, D), lambda i, j: (0, i, 0)),
        ],
        out_specs=pl.BlockSpec((B, blk, D), lambda i, j: (0, i, 0)),
        out_shape=jax.ShapeDtypeStruct((B, L, D), x.dtype),
        scratch_shapes=[
            pltpu.VMEM((2, blk, blk), jnp.float32),
            pltpu.VMEM((B, blk, D), jnp.float32),
            pltpu.VMEM((blk, 1), jnp.float32),
        ],
        compiler_params=pltpu.CompilerParams(
            dimension_semantics=("arbitrary", "arbitrary")),
    )(nv, einorm, ejg, posj, xg, x)

# --- scband reference (transcript-rebuilt; emitter-appended) ---
"""Pipeline reference for scband-long-range-module-49237505082088 (READ-ONLY COPY).

The authoritative reference and input builder live on the scoring server;
editing this copy changes nothing except your own understanding.
"""

import jax, jax.numpy as jnp
import numpy as np

TOTAL_SITES = 4096
D_MODEL = 768
CHUNK_SIZE = 128
COS_CUTOFF = 0.05
D_EMB = 384
B = 2
L = 4096

def setup_inputs(seed: int = 0) -> dict:
    key = jax.random.key(seed)
    k1, k2, k3, k4 = jax.random.split(key, 4)
    x = jax.random.normal(k1, (B, L, D_MODEL), dtype=jnp.float32)
    mask = jax.random.randint(k2, (L,), 0, 2).astype(jnp.int32)
    emb_i_weight = jax.random.normal(k3, (TOTAL_SITES, D_EMB), dtype=jnp.float32)
    emb_j_weight = jax.random.normal(k4, (TOTAL_SITES, D_EMB), dtype=jnp.float32)
    return {"x": x, "mask": mask, "emb_i_weight": emb_i_weight, "emb_j_weight": emb_j_weight}

def reference(x, mask, emb_i_weight, emb_j_weight):
    n_sites = mask.shape[0]
    valid = mask == 1
    pos = jnp.arange(n_sites)
    dist = jnp.abs(pos[:, None] - pos[None, :])
    far_mask = dist > CHUNK_SIZE
    ei = jnp.take(emb_i_weight, pos, axis=0)
    ej = jnp.take(emb_j_weight, pos, axis=0)
    ni = jnp.maximum(jnp.linalg.norm(ei, axis=-1, keepdims=True), 1e-8)
    nj = jnp.maximum(jnp.linalg.norm(ej, axis=-1, keepdims=True), 1e-8)
    cos_sim = jnp.abs((ei / ni) @ (ej / nj).T)
    valid_j_mask = valid[:, None] & valid[None, :] & far_mask & (cos_sim > COS_CUTOFF)
    num_j = valid_j_mask.sum(axis=1)
    weights = jnp.where(valid_j_mask, cos_sim, 0.0) / jnp.maximum(num_j, 1).astype(cos_sim.dtype)[:, None]
    xj_weighted = jnp.einsum('ij,bjd->bid', weights, x)
    new_vals = (x + xj_weighted) / 2.0
    upd_mask = valid & (num_j > 0)
    x_out = jnp.where(upd_mask[None, :, None], new_vals, x)
    return x_out

if __name__ == "__main__":
    import jax
    _d = setup_inputs()
    print(jax.jit(kernel)(*tuple(_d.values())))

</pallas_src>

<mosaic_0001>
module attributes {stable_mosaic.version = 14 : i64} {
  func.func @_norm_kernel(%arg0: i32, %arg1: memref<1x512x1xi32, #tpu.memory_space<vmem>>, %arg2: memref<512x384xf32, #tpu.memory_space<vmem>>, %arg3: memref<512x384xf32, #tpu.memory_space<vmem>>, %arg4: memref<512x384xf32, #tpu.memory_space<vmem>>, %arg5: memref<512x384xf32, #tpu.memory_space<vmem>>) attributes {dimension_semantics = [#tpu.dimension_semantics<arbitrary>], iteration_bounds = array<i64: 8>, scalar_prefetch = 0 : i64, scratch_operands = 0 : i64, tpu.core_type = #tpu.core_type<tc>, window_params = [{transform_indices = @transform_0, window_bounds = array<i64: 1, 512, 1>}, {transform_indices = @transform_1, window_bounds = array<i64: 512, 384>}, {transform_indices = @transform_2, window_bounds = array<i64: 512, 384>}, {transform_indices = @transform_3, window_bounds = array<i64: 512, 384>}, {transform_indices = @transform_4, window_bounds = array<i64: 512, 384>}]} {
    %get3A = arith.constant 0 : index
    %get3A_0 = arith.constant 0 : index
    %get3A_1 = arith.constant 0 : index
    %get3A_2 = vector.load %arg1[%get3A, %get3A_0, %get3A_1] : memref<1x512x1xi32, #tpu.memory_space<vmem>>, vector<1x512x1xi32>
    %get3A_3 = vector.shape_cast %get3A_2 : vector<1x512x1xi32> to vector<512x1xi32>
    %convert_element_type3A = arith.sitofp %get3A_3 : vector<512x1xi32> to vector<512x1xf32>
    %get3A_4 = arith.constant 0 : index
    %get3A_5 = arith.constant 0 : index
    %get3A_6 = vector.load %arg2[%get3A_4, %get3A_5] : memref<512x384xf32, #tpu.memory_space<vmem>>, vector<512x384xf32>
    %mul3A = arith.mulf %get3A_6, %get3A_6 : vector<512x384xf32>
    %reduce_sum3A = arith.constant dense<0.000000e+00> : vector<512xf32>
    %reduce_sum3A_7 = vector.multi_reduction <add>, %mul3A, %reduce_sum3A [1] : vector<512x384xf32> to vector<512xf32>
    %broadcast_in_dim3A = vector.shape_cast %reduce_sum3A_7 : vector<512xf32> to vector<512x1xf32>
    %sqrt3A = math.sqrt %broadcast_in_dim3A : vector<512x1xf32>
    %max3A = arith.constant 9.99999993E-9 : f32
    %max3A_8 = vector.broadcast %max3A : f32 to vector<512x1xf32>
    %max3A_9 = arith.maximumf %sqrt3A, %max3A_8 : vector<512x1xf32>
    %div3A = arith.divf %convert_element_type3A, %max3A_9 : vector<512x1xf32>
    %mul3A_10 = vector.broadcast %div3A : vector<512x1xf32> to vector<512x384xf32>
    %mul3A_11 = arith.mulf %get3A_6, %mul3A_10 : vector<512x384xf32>
    %swap3A = arith.constant 0 : index
    %swap3A_12 = arith.constant 0 : index
    %swap3A_13 = vector.load %arg4[%swap3A, %swap3A_12] : memref<512x384xf32, #tpu.memory_space<vmem>>, vector<512x384xf32>
    tpu.vector_store %arg4[%swap3A, %swap3A_12], %mul3A_11 {strides = array<i32>} : memref<512x384xf32, #tpu.memory_space<vmem>>, vector<512x384xf32>,
    %get3A_14 = arith.constant 0 : index
    %get3A_15 = arith.constant 0 : index
    %get3A_16 = vector.load %arg3[%get3A_14, %get3A_15] : memref<512x384xf32, #tpu.memory_space<vmem>>, vector<512x384xf32>
    %mul3A_17 = arith.mulf %get3A_16, %get3A_16 : vector<512x384xf32>
    %reduce_sum3A_18 = arith.constant dense<0.000000e+00> : vector<512xf32>
    %reduce_sum3A_19 = vector.multi_reduction <add>, %mul3A_17, %reduce_sum3A_18 [1] : vector<512x384xf32> to vector<512xf32>
    %broadcast_in_dim3A_20 = vector.shape_cast %reduce_sum3A_19 : vector<512xf32> to vector<512x1xf32>
    %sqrt3A_21 = math.sqrt %broadcast_in_dim3A_20 : vector<512x1xf32>
    %max3A_22 = arith.constant 9.99999993E-9 : f32
    %max3A_23 = vector.broadcast %max3A_22 : f32 to vector<512x1xf32>
    %max3A_24 = arith.maximumf %sqrt3A_21, %max3A_23 : vector<512x1xf32>
    %div3A_25 = arith.divf %convert_element_type3A, %max3A_24 : vector<512x1xf32>
    %mul3A_26 = vector.broadcast %div3A_25 : vector<512x1xf32> to vector<512x384xf32>
    %mul3A_27 = arith.mulf %get3A_16, %mul3A_26 : vector<512x384xf32>
    %swap3A_28 = arith.constant 0 : index
    %swap3A_29 = arith.constant 0 : index
    %swap3A_30 = vector.load %arg5[%swap3A_28, %swap3A_29] : memref<512x384xf32, #tpu.memory_space<vmem>>, vector<512x384xf32>
    tpu.vector_store %arg5[%swap3A_28, %swap3A_29], %mul3A_27 {strides = array<i32>} : memref<512x384xf32, #tpu.memory_space<vmem>>, vector<512x384xf32>,
    return
  }
  func.func @transform_0(%arg0: i32) -> (i32, i32, i32) {
    %c0_i32 = arith.constant 0 : i32
    %c0_i32_0 = arith.constant 0 : i32
    %c0_i32_1 = arith.constant 0 : i32
    return %arg0, %c0_i32, %c0_i32_0 : i32, i32, i32
  }
  func.func @transform_1(%arg0: i32) -> (i32, i32) {
    %c0_i32 = arith.constant 0 : i32
    %c0_i32_0 = arith.constant 0 : i32
    return %arg0, %c0_i32 : i32, i32
  }
  func.func @transform_2(%arg0: i32) -> (i32, i32) {
    %c0_i32 = arith.constant 0 : i32
    %c0_i32_0 = arith.constant 0 : i32
    return %arg0, %c0_i32 : i32, i32
  }
  func.func @transform_3(%arg0: i32) -> (i32, i32) {
    %c0_i32 = arith.constant 0 : i32
    %c0_i32_0 = arith.constant 0 : i32
    return %arg0, %c0_i32 : i32, i32
  }
  func.func @transform_4(%arg0: i32) -> (i32, i32) {
    %c0_i32 = arith.constant 0 : i32
    %c0_i32_0 = arith.constant 0 : i32
    return %arg0, %c0_i32 : i32, i32
  }
}

module attributes {stable_mosaic.version = 14 : i64} {
  func.func @_lr_kernel(%arg0: i32, %arg1: i32, %arg2: memref<1xi32, #tpu.memory_space<smem>>, %arg3: memref<512x384xf32, #tpu.memory_space<vmem>>, %arg4: memref<512x384xf32, #tpu.memory_space<vmem>>, %arg5: memref<1x1x512xf32, #tpu.memory_space<vmem>>, %arg6: memref<2x512x768xf32, #tpu.memory_space<vmem>>, %arg7: memref<2x512x768xf32, #tpu.memory_space<vmem>>, %arg8: memref<2x512x768xf32, #tpu.memory_space<vmem>>, %arg9: memref<2x512x512xf32, #tpu.memory_space<vmem>>, %arg10: memref<2x512x768xf32, #tpu.memory_space<vmem>>, %arg11: memref<512x1xf32, #tpu.memory_space<vmem>>) attributes {dimension_semantics = [#tpu.dimension_semantics<arbitrary>, #tpu.dimension_semantics<arbitrary>], iteration_bounds = array<i64: 8, 9>, scalar_prefetch = 0 : i64, scratch_operands = 3 : i64, tpu.core_type = #tpu.core_type<tc>, window_params = [{transform_indices = @transform_0, window_bounds = array<i64: 1>}, {transform_indices = @transform_1, window_bounds = array<i64: 512, 384>}, {transform_indices = @transform_2, window_bounds = array<i64: 512, 384>}, {transform_indices = @transform_3, window_bounds = array<i64: 1, 1, 512>}, {transform_indices = @transform_4, window_bounds = array<i64: 2, 512, 768>}, {transform_indices = @transform_5, window_bounds = array<i64: 2, 512, 768>}, {transform_indices = @transform_6, window_bounds = array<i64: 2, 512, 768>}]} {
    %mul3A = arith.constant 9 : i32
    %mul3A_0 = arith.muli %arg0, %mul3A : i32
    %add3A = arith.addi %mul3A_0, %arg1 : i32
    %rem3A = arith.constant 2 : i32
    %rem3A_1 = arith.remsi %add3A, %rem3A : i32
    %get3A = arith.constant 0 : index
    %get3A_2 = memref.load %arg2[%get3A] : memref<1xi32, #tpu.memory_space<smem>>
    %eq3A = arith.constant 0 : i32
    %eq3A_3 = arith.cmpi eq, %arg0, %eq3A : i32
    %eq3A_4 = arith.constant 0 : i32
    %eq3A_5 = arith.cmpi eq, %arg1, %eq3A_4 : i32
    %and3A = arith.andi %eq3A_3, %eq3A_5 : i1
    %convert_element_type3A = arith.extui %and3A : i1 to i32
    %cond3A = arith.constant 0 : i32
    %cond3A_6 = arith.cmpi ne, %convert_element_type3A, %cond3A : i32
    scf.if %cond3A_6 {
      %broadcast_in_dim3A = arith.constant 0.000000e+00 : f32
      %broadcast_in_dim3A_31 = vector.broadcast %broadcast_in_dim3A : f32 to vector<512x512xf32>
      %swap3A = arith.constant 1 : index
      %swap3A_32 = arith.constant 0 : index
      %swap3A_33 = arith.constant 0 : index
      %swap3A_34 = vector.load %arg9[%swap3A, %swap3A_32, %swap3A_33] : memref<2x512x512xf32, #tpu.memory_space<vmem>>, vector<1x512x512xf32>
      %swap3A_35 = vector.shape_cast %swap3A_34 : vector<1x512x512xf32> to vector<512x512xf32>
      %swap3A_36 = vector.shape_cast %broadcast_in_dim3A_31 : vector<512x512xf32> to vector<1x512x512xf32>
      tpu.vector_store %arg9[%swap3A, %swap3A_32, %swap3A_33], %swap3A_36 {strides = array<i32>} : memref<2x512x512xf32, #tpu.memory_space<vmem>>, vector<1x512x512xf32>,
    } else {
    }
    %eq3A_7 = arith.constant 0 : i32
    %eq3A_8 = arith.cmpi eq, %arg1, %eq3A_7 : i32
    %convert_element_type3A_9 = arith.extui %eq3A_8 : i1 to i32
    %cond3A_10 = arith.constant 0 : i32
    %cond3A_11 = arith.cmpi ne, %convert_element_type3A_9, %cond3A_10 : i32
    scf.if %cond3A_11 {
      %broadcast_in_dim3A = arith.constant 0.000000e+00 : f32
      %broadcast_in_dim3A_31 = vector.broadcast %broadcast_in_dim3A : f32 to vector<512x1xf32>
      %swap3A = arith.constant 0 : index
      %swap3A_32 = arith.constant 0 : index
      %swap3A_33 = vector.load %arg11[%swap3A, %swap3A_32] : memref<512x1xf32, #tpu.memory_space<vmem>>, vector<512x1xf32>
      tpu.vector_store %arg11[%swap3A, %swap3A_32], %broadcast_in_dim3A_31 {strides = array<i32>} : memref<512x1xf32, #tpu.memory_space<vmem>>, vector<512x1xf32>,
      %broadcast_in_dim3A_34 = arith.constant 0.000000e+00 : f32
      %broadcast_in_dim3A_35 = vector.broadcast %broadcast_in_dim3A_34 : f32 to vector<2x512x768xf32>
      %swap3A_36 = arith.constant 0 : index
      %swap3A_37 = arith.constant 0 : index
      %swap3A_38 = arith.constant 0 : index
      %swap3A_39 = vector.load %arg10[%swap3A_36, %swap3A_37, %swap3A_38] : memref<2x512x768xf32, #tpu.memory_space<vmem>>, vector<2x512x768xf32>
      tpu.vector_store %arg10[%swap3A_36, %swap3A_37, %swap3A_38], %broadcast_in_dim3A_35 {strides = array<i32>} : memref<2x512x768xf32, #tpu.memory_space<vmem>>, vector<2x512x768xf32>,
    } else {
    }
    %gt3A = arith.constant 0 : i32
    %gt3A_12 = arith.cmpi sgt, %arg1, %gt3A : i32
    %sub3A = arith.constant 1 : i32
    %sub3A_13 = arith.subi %arg1, %sub3A : i32
    %mul3A_14 = arith.constant 512 : i32
    %mul3A_15 = arith.muli %sub3A_13, %mul3A_14 : i32
    %lt3A = arith.cmpi slt, %mul3A_15, %get3A_2 : i32
    %and3A_16 = arith.andi %gt3A_12, %lt3A : i1
    %convert_element_type3A_17 = arith.extui %and3A_16 : i1 to i32
    %cond3A_18 = arith.constant 0 : i32
    %cond3A_19 = arith.cmpi ne, %convert_element_type3A_17, %cond3A_18 : i32
    scf.if %cond3A_19 {
      %sub3A_31 = arith.constant 1 : i32
      %sub3A_32 = arith.subi %sub3A_31, %rem3A_1 : i32
      %get3A_33 = arith.index_cast %sub3A_32 : i32 to index
      %get3A_34 = arith.constant 0 : index
      %get3A_35 = arith.constant 0 : index
      %get3A_36 = vector.load %arg9[%get3A_33, %get3A_34, %get3A_35] : memref<2x512x512xf32, #tpu.memory_space<vmem>>, vector<1x512x512xf32>
      %get3A_37 = vector.shape_cast %get3A_36 : vector<1x512x512xf32> to vector<512x512xf32>
      %get3A_38 = arith.constant 0 : index
      %get3A_39 = arith.constant 0 : index
      %get3A_40 = arith.constant 0 : index
      %get3A_41 = vector.load %arg10[%get3A_38, %get3A_39, %get3A_40] : memref<2x512x768xf32, #tpu.memory_space<vmem>>, vector<1x512x768xf32>
      %get3A_42 = vector.shape_cast %get3A_41 : vector<1x512x768xf32> to vector<512x768xf32>
      %get3A_43 = arith.constant 0 : index
      %get3A_44 = arith.constant 0 : index
      %get3A_45 = arith.constant 0 : index
      %get3A_46 = vector.load %arg6[%get3A_43, %get3A_44, %get3A_45] : memref<2x512x768xf32, #tpu.memory_space<vmem>>, vector<1x512x768xf32>
      %get3A_47 = vector.shape_cast %get3A_46 : vector<1x512x768xf32> to vector<512x768xf32>
      %dot_general3A = arith.constant dense<0.000000e+00> : vector<512x768xf32>
      %dot_general3A_48 = tpu.matmul %get3A_37, %get3A_47, %dot_general3A {dimension_numbers = #tpu.dot_dimension_numbers<[1], [0], [0], [1], [0, 0, 1, 1], [], []>, transpose_lhs_hint = false} : vector<512x512xf32>, vector<512x768xf32>, vector<512x768xf32> -> vector<512x768xf32>
      %add3A_49 = arith.addf %get3A_42, %dot_general3A_48 : vector<512x768xf32>
      %swap3A = arith.constant 0 : index
      %swap3A_50 = arith.constant 0 : index
      %swap3A_51 = arith.constant 0 : index
      %swap3A_52 = vector.load %arg10[%swap3A, %swap3A_50, %swap3A_51] : memref<2x512x768xf32, #tpu.memory_space<vmem>>, vector<1x512x768xf32>
      %swap3A_53 = vector.shape_cast %swap3A_52 : vector<1x512x768xf32> to vector<512x768xf32>
      %swap3A_54 = vector.shape_cast %add3A_49 : vector<512x768xf32> to vector<1x512x768xf32>
      tpu.vector_store %arg10[%swap3A, %swap3A_50, %swap3A_51], %swap3A_54 {strides = array<i32>} : memref<2x512x768xf32, #tpu.memory_space<vmem>>, vector<1x512x768xf32>,
      %get3A_55 = arith.constant 1 : index
      %get3A_56 = arith.constant 0 : index
      %get3A_57 = arith.constant 0 : index
      %get3A_58 = vector.load %arg10[%get3A_55, %get3A_56, %get3A_57] : memref<2x512x768xf32, #tpu.memory_space<vmem>>, vector<1x512x768xf32>
      %get3A_59 = vector.shape_cast %get3A_58 : vector<1x512x768xf32> to vector<512x768xf32>
      %get3A_60 = arith.constant 1 : index
      %get3A_61 = arith.constant 0 : index
      %get3A_62 = arith.constant 0 : index
      %get3A_63 = vector.load %arg6[%get3A_60, %get3A_61, %get3A_62] : memref<2x512x768xf32, #tpu.memory_space<vmem>>, vector<1x512x768xf32>
      %get3A_64 = vector.shape_cast %get3A_63 : vector<1x512x768xf32> to vector<512x768xf32>
      %dot_general3A_65 = arith.constant dense<0.000000e+00> : vector<512x768xf32>
      %dot_general3A_66 = tpu.matmul %get3A_37, %get3A_64, %dot_general3A_65 {dimension_numbers = #tpu.dot_dimension_numbers<[1], [0], [0], [1], [0, 0, 1, 1], [], []>, transpose_lhs_hint = false} : vector<512x512xf32>, vector<512x768xf32>, vector<512x768xf32> -> vector<512x768xf32>
      %add3A_67 = arith.addf %get3A_59, %dot_general3A_66 : vector<512x768xf32>
      %swap3A_68 = arith.constant 1 : index
      %swap3A_69 = arith.constant 0 : index
      %swap3A_70 = arith.constant 0 : index
      %swap3A_71 = vector.load %arg10[%swap3A_68, %swap3A_69, %swap3A_70] : memref<2x512x768xf32, #tpu.memory_space<vmem>>, vector<1x512x768xf32>
      %swap3A_72 = vector.shape_cast %swap3A_71 : vector<1x512x768xf32> to vector<512x768xf32>
      %swap3A_73 = vector.shape_cast %add3A_67 : vector<512x768xf32> to vector<1x512x768xf32>
      tpu.vector_store %arg10[%swap3A_68, %swap3A_69, %swap3A_70], %swap3A_73 {strides = array<i32>} : memref<2x512x768xf32, #tpu.memory_space<vmem>>, vector<1x512x768xf32>,
    } else {
    }
    %mul3A_20 = arith.constant 512 : i32
    %mul3A_21 = arith.muli %arg1, %mul3A_20 : i32
    %lt3A_22 = arith.cmpi slt, %mul3A_21, %get3A_2 : i32
    %convert_element_type3A_23 = arith.extui %lt3A_22 : i1 to i32
    %cond3A_24 = arith.constant 0 : i32
    %cond3A_25 = arith.cmpi ne, %convert_element_type3A_23, %cond3A_24 : i32
    scf.if %cond3A_25 {
      %get3A_31 = arith.constant 0 : index
      %get3A_32 = arith.constant 0 : index
      %get3A_33 = vector.load %arg3[%get3A_31, %get3A_32] : memref<512x384xf32, #tpu.memory_space<vmem>>, vector<512x384xf32>
      %get3A_34 = arith.constant 0 : index
      %get3A_35 = arith.constant 0 : index
      %get3A_36 = vector.load %arg4[%get3A_34, %get3A_35] : memref<512x384xf32, #tpu.memory_space<vmem>>, vector<512x384xf32>
      %dot_general3A = arith.constant dense<0.000000e+00> : vector<512x512xf32>
      %dot_general3A_37 = tpu.matmul %get3A_33, %get3A_36, %dot_general3A {dimension_numbers = #tpu.dot_dimension_numbers<[1], [1], [0], [0], [0, 0, 1, 0], [], []>, transpose_lhs_hint = false} : vector<512x384xf32>, vector<512x384xf32>, vector<512x512xf32> -> vector<512x512xf32>
      %abs3A = math.absf %dot_general3A_37 : vector<512x512xf32>
      %mul3A_38 = arith.constant 512 : i32
      %mul3A_39 = arith.muli %arg0, %mul3A_38 : i32
      %iota3A = tpu.iota {dimensions = array<i32: 0>} : vector<512x512xi32>
      %add3A_40 = vector.broadcast %mul3A_39 : i32 to vector<512x512xi32>
      %add3A_41 = arith.addi %add3A_40, %iota3A : vector<512x512xi32>
      %convert_element_type3A_42 = arith.sitofp %add3A_41 : vector<512x512xi32> to vector<512x512xf32>
      %get3A_43 = arith.constant 0 : index
      %get3A_44 = arith.constant 0 : index
      %get3A_45 = arith.constant 0 : index
      %get3A_46 = vector.load %arg5[%get3A_43, %get3A_44, %get3A_45] : memref<1x1x512xf32, #tpu.memory_space<vmem>>, vector<1x1x512xf32>
      %get3A_47 = vector.shape_cast %get3A_46 : vector<1x1x512xf32> to vector<1x512xf32>
      %sub3A_48 = vector.broadcast %get3A_47 : vector<1x512xf32> to vector<512x512xf32>
      %sub3A_49 = arith.subf %convert_element_type3A_42, %sub3A_48 : vector<512x512xf32>
      %abs3A_50 = math.absf %sub3A_49 : vector<512x512xf32>
      %gt3A_51 = arith.constant 1.280000e+02 : f32
      %gt3A_52 = vector.broadcast %gt3A_51 : f32 to vector<512x512xf32>
      %gt3A_53 = arith.cmpf ogt, %abs3A_50, %gt3A_52 : vector<512x512xf32>
      %gt3A_54 = arith.constant 5.000000e-02 : f32
      %gt3A_55 = vector.broadcast %gt3A_54 : f32 to vector<512x512xf32>
      %gt3A_56 = arith.cmpf ogt, %abs3A, %gt3A_55 : vector<512x512xf32>
      %and3A_57 = arith.andi %gt3A_53, %gt3A_56 : vector<512x512xi1>
      %jit3A = arith.constant 1.000000e+00 : f32
      %jit3A_58 = arith.constant 0.000000e+00 : f32
      %broadcast_in_dim3A = vector.broadcast %jit3A : f32 to vector<512x512xf32>
      %broadcast_in_dim3A_59 = vector.broadcast %jit3A_58 : f32 to vector<512x512xf32>
      %select_n3A = arith.select %and3A_57, %broadcast_in_dim3A, %broadcast_in_dim3A_59 : vector<512x512xi1>, vector<512x512xf32>
      %mul3A_60 = arith.mulf %abs3A, %select_n3A : vector<512x512xf32>
      %swap3A = arith.index_cast %rem3A_1 : i32 to index
      %swap3A_61 = arith.constant 0 : index
      %swap3A_62 = arith.constant 0 : index
      %swap3A_63 = vector.load %arg9[%swap3A, %swap3A_61, %swap3A_62] : memref<2x512x512xf32, #tpu.memory_space<vmem>>, vector<1x512x512xf32>
      %swap3A_64 = vector.shape_cast %swap3A_63 : vector<1x512x512xf32> to vector<512x512xf32>
      %swap3A_65 = vector.shape_cast %mul3A_60 : vector<512x512xf32> to vector<1x512x512xf32>
      tpu.vector_store %arg9[%swap3A, %swap3A_61, %swap3A_62], %swap3A_65 {strides = array<i32>} : memref<2x512x512xf32, #tpu.memory_space<vmem>>, vector<1x512x512xf32>,
      %get3A_66 = arith.constant 0 : index
      %get3A_67 = arith.constant 0 : index
      %get3A_68 = vector.load %arg11[%get3A_66, %get3A_67] : memref<512x1xf32, #tpu.memory_space<vmem>>, vector<512x1xf32>
      %reduce_sum3A = arith.constant dense<0.000000e+00> : vector<512xf32>
      %reduce_sum3A_69 = vector.multi_reduction <add>, %select_n3A, %reduce_sum3A [1] : vector<512x512xf32> to vector<512xf32>
      %broadcast_in_dim3A_70 = vector.shape_cast %reduce_sum3A_69 : vector<512xf32> to vector<512x1xf32>
      %add3A_71 = arith.addf %get3A_68, %broadcast_in_dim3A_70 : vector<512x1xf32>
      %swap3A_72 = arith.constant 0 : index
      %swap3A_73 = arith.constant 0 : index
      %swap3A_74 = vector.load %arg11[%swap3A_72, %swap3A_73] : memref<512x1xf32, #tpu.memory_space<vmem>>, vector<512x1xf32>
      tpu.vector_store %arg11[%swap3A_72, %swap3A_73], %add3A_71 {strides = array<i32>} : memref<512x1xf32, #tpu.memory_space<vmem>>, vector<512x1xf32>,
    } else {
    }
    %eq3A_26 = arith.constant 8 : i32
    %eq3A_27 = arith.cmpi eq, %arg1, %eq3A_26 : i32
    %convert_element_type3A_28 = arith.extui %eq3A_27 : i1 to i32
    %cond3A_29 = arith.constant 0 : i32
    %cond3A_30 = arith.cmpi ne, %convert_element_type3A_28, %cond3A_29 : i32
    scf.if %cond3A_30 {
      %get3A_31 = arith.constant 0 : index
      %get3A_32 = arith.constant 0 : index
      %get3A_33 = vector.load %arg11[%get3A_31, %get3A_32] : memref<512x1xf32, #tpu.memory_space<vmem>>, vector<512x1xf32>
      %get3A_34 = arith.constant 0 : index
      %get3A_35 = arith.constant 0 : index
      %get3A_36 = arith.constant 0 : index
      %get3A_37 = vector.load %arg7[%get3A_34, %get3A_35, %get3A_36] : memref<2x512x768xf32, #tpu.memory_space<vmem>>, vector<2x512x768xf32>
      %get3A_38 = arith.constant 0 : index
      %get3A_39 = arith.constant 0 : index
      %get3A_40 = arith.constant 0 : index
      %get3A_41 = vector.load %arg10[%get3A_38, %get3A_39, %get3A_40] : memref<2x512x768xf32, #tpu.memory_space<vmem>>, vector<2x512x768xf32>
      %max3A = arith.constant 1.000000e+00 : f32
      %max3A_42 = vector.broadcast %max3A : f32 to vector<512x1xf32>
      %max3A_43 = arith.maximumf %get3A_33, %max3A_42 : vector<512x1xf32>
      %broadcast_in_dim3A = vector.shape_cast %max3A_43 : vector<512x1xf32> to vector<1x512x1xf32>
      %div3A = vector.broadcast %broadcast_in_dim3A : vector<1x512x1xf32> to vector<2x512x768xf32>
      %div3A_44 = arith.divf %get3A_41, %div3A : vector<2x512x768xf32>
      %gt3A_45 = arith.constant 0.000000e+00 : f32
      %gt3A_46 = vector.broadcast %gt3A_45 : f32 to vector<512x1xf32>
      %gt3A_47 = arith.cmpf ogt, %get3A_33, %gt3A_46 : vector<512x1xf32>
      %broadcast_in_dim3A_48 = vector.shape_cast %gt3A_47 : vector<512x1xi1> to vector<1x512x1xi1>
      %add3A_49 = arith.addf %get3A_37, %div3A_44 : vector<2x512x768xf32>
      %mul3A_50 = arith.constant 5.000000e-01 : f32
      %mul3A_51 = vector.broadcast %mul3A_50 : f32 to vector<2x512x768xf32>
      %mul3A_52 = arith.mulf %add3A_49, %mul3A_51 : vector<2x512x768xf32>
      %broadcast_in_dim3A_53 = vector.shape_cast %broadcast_in_dim3A_48 : vector<1x512x1xi1> to vector<1x512x1xi1>
      %broadcast_in_dim3A_54 = vector.broadcast %broadcast_in_dim3A_53 : vector<1x512x1xi1> to vector<2x512x768xi1>
      %select_n3A = arith.select %broadcast_in_dim3A_54, %mul3A_52, %get3A_37 : vector<2x512x768xi1>, vector<2x512x768xf32>
      %swap3A = arith.constant 0 : index
      %swap3A_55 = arith.constant 0 : index
      %swap3A_56 = arith.constant 0 : index
      %swap3A_57 = vector.load %arg8[%swap3A, %swap3A_55, %swap3A_56] : memref<2x512x768xf32, #tpu.memory_space<vmem>>, vector<2x512x768xf32>
      tpu.vector_store %arg8[%swap3A, %swap3A_55, %swap3A_56], %select_n3A {strides = array<i32>} : memref<2x512x768xf32, #tpu.memory_space<vmem>>, vector<2x512x768xf32>,
    } else {
    }
    return
  }
  func.func @transform_0(%arg0: i32, %arg1: i32) -> i32 {
    %c0_i32 = arith.constant 0 : i32
    %c0_i32_0 = arith.constant 0 : i32
    return %c0_i32 : i32
  }
  func.func @transform_1(%arg0: i32, %arg1: i32) -> (i32, i32) {
    %c0_i32 = arith.constant 0 : i32
    %c0_i32_0 = arith.constant 0 : i32
    return %arg0, %c0_i32 : i32, i32
  }
  func.func @transform_2(%arg0: i32, %arg1: i32) -> (i32, i32) {
    %min3A = arith.constant 7 : i32
    %min3A_0 = arith.minsi %arg1, %min3A : i32
    %c0_i32 = arith.constant 0 : i32
    %c0_i32_1 = arith.constant 0 : i32
    return %min3A_0, %c0_i32 : i32, i32
  }
  func.func @transform_3(%arg0: i32, %arg1: i32) -> (i32, i32, i32) {
    %min3A = arith.constant 7 : i32
    %min3A_0 = arith.minsi %arg1, %min3A : i32
    %c0_i32 = arith.constant 0 : i32
    %c0_i32_1 = arith.constant 0 : i32
    %c0_i32_2 = arith.constant 0 : i32
    return %min3A_0, %c0_i32, %c0_i32_1 : i32, i32, i32
  }
  func.func @transform_4(%arg0: i32, %arg1: i32) -> (i32, i32, i32) {
    %max3A = arith.constant 1 : i32
    %max3A_0 = arith.maxsi %arg1, %max3A : i32
    %sub3A = arith.constant 1 : i32
    %sub3A_1 = arith.subi %max3A_0, %sub3A : i32
    %c0_i32 = arith.constant 0 : i32
    %c0_i32_2 = arith.constant 0 : i32
    %c0_i32_3 = arith.constant 0 : i32
    return %c0_i32, %sub3A_1, %c0_i32_2 : i32, i32, i32
  }
  func.func @transform_5(%arg0: i32, %arg1: i32) -> (i32, i32, i32) {
    %c0_i32 = arith.constant 0 : i32
    %c0_i32_0 = arith.constant 0 : i32
    %c0_i32_1 = arith.constant 0 : i32
    return %c0_i32, %arg0, %c0_i32_0 : i32, i32, i32
  }
  func.func @transform_6(%arg0: i32, %arg1: i32) -> (i32, i32, i32) {
    %c0_i32 = arith.constant 0 : i32
    %c0_i32_0 = arith.constant 0 : i32
    %c0_i32_1 = arith.constant 0 : i32
    return %c0_i32, %arg0, %c0_i32_0 : i32, i32, i32
  }
}

</mosaic_0001>

<sc_bundles>
// kernel: gather_offload_async_start
scs
__scs_entry_jumppad:
0x0: {  	(pc) =	sbr.rel $0x88, $3  }
0x1: {  	(tag) =	ssettag $0x0;
	lr =	simm.s32 $0x1  }
0x2: {  	[smem:$0x3F9D] =	sst lr;
	_ =	strace $0xD0000000  }
0x3: {  	_ = 	snop  }
0x4: {  	_ = 	snop  }
0x5: {  	_ = 	snop  }
0x6: {  	_ = 	snop  }
0x7: {  	_ = 	snop  }
__scs_overlays_trampoline_lowered:
0x8: {  	[smem:$0x3FAC] =	sst s0  }
0x9: {  	[smem:$0x3FAD] =	sst s1  }
0xa: {  	[smem:$0x3FAE] =	sst s2  }
0xb: {  	[smem:$0x3FAF] =	sst s3  }
0xc: {  	[smem:$0x3FB0] =	sst s4  }
0xd: {  	[smem:$0x3FB1] =	sst s5  }
0xe: {  	[smem:$0x3FB2] =	sst s6  }
0xf: {  	[smem:$0x3FB3] =	sst s7  }
0x10: {  	[smem:$0x3FB4] =	sst s8  }
0x11: {  	[smem:$0x3FB5] =	sst s9;
	s0 =	simm.s32 @!p0 $0x0  }
0x12: {  	s1 =	sld [smem:$0x3F9B];
	s0 =	simm.s32 @p0 $0x1  }
0x13: {  	[smem:$0x3FB6] =	sst s0;
	s0 =	simm.s32 @!p1 $0x0  }
0x14: {  	s2 =	sld [smem:$0x3F9A];
	s0 =	simm.s32 @p1 $0x1  }
0x15: {  	[smem:$0x3FB7] =	sst s0;
	s0 =	simm.s32 @!p2 $0x0  }
0x16: {  	s3 =	sld [smem:$0x3FDB];
	s0 =	simm.s32 @p2 $0x1  }
0x17: {  	s4 =	simm.s32 $0x1BF5;
	[smem:$0x3FB9] =	sst s0  }
0x18: {  	s0 =	sld [smem:$0x3F9C];
	_ =	swait.ge [sflag:s4], $0x0  }
0x19: {  	s7 =	sld [smem:$0x3F9D]  }
0x1a: {  	s8 =	sadd.s32 $0xFFFFE003, lr  }
0x1b: {  	s9 =	sadd.s32 $0xFFFFFEF7, lr;
	s5 =	simm.s32 $0xFFFFFFFF;
	p2 =	slt.u32 s8, $0xFFFFF086  }
0x1c: {  	p1 =	slt.u32 s9, $0xF7A;
	s5 =	simm.s32 @!p2 $0x0  }
0x1d: {  	s5 =	simm.s32 @p1 $0x1;
	p0 =	seq.s32 s7, s2  }
0x1e: {  	s7 =	smul.u32 @!p0 $0xF7A, s2;
	p2 =	seq.s32 @!p0 s5, $0x0  }
0x1f: {  	s9 =	smul.u32 $0xF7A, s1;
	s8 =	simm.s32 @!p0 $0x1BF5;
	p2 =	por !p2, p0  }
0x20: {  	[sflag:s8] =	ssyncset.s32 @!p0 $0xFFFFF086;
	s6 =	sadd.s32 @!p0 s3, s7;
	s7 =	simm.s32 @!p0 $0x108  }
0x21: {  	s3 =	sadd.s32 s3, s9;
	s6 =	sadd.s32 @!p0 $0x88, s6;
	s7 =	simm.s32 @p2 $0x1082  }
0x22: {  	[simem:s7], [sflag:s8] =	dma.local @!p0 [hbm:s6], $0xF7A  }
0x23: {  	s9 =	sor.u32 $0xD0000000, s2;
	s6 =	simm.s32 $0x108;
	_ =	swait.ge @!p0 [sflag:s8], $0x0  }
0x24: {  	s3 =	sadd.s32 $0x88, s3;
	s6 =	simm.s32 @!p1 $0x1082;
	[sflag:s4] =	ssyncset.s32 $0xFFFFF086  }
0x25: {  	[simem:s6], [sflag:s4] =	dma.local [hbm:s3], $0xF7A  }
0x26: {  	[smem:$0x3F9D] =	sst s1;
	(tag) =	ssettag s2;
	_ =	strace s9  }
0x27: {  	s1 =	sld [smem:$0x3FAD]  }
0x28: {  	s2 =	sld [smem:$0x3FAE]  }
0x29: {  	s4 =	sld [smem:$0x3FB0]  }
0x2a: {  	p0 =	seq.s32 s5, $0x0;
	s5 =	sld [smem:$0x3FB1]  }
0x2b: {  	s6 =	sld [smem:$0x3FB2]  }
0x2c: {  	s7 =	sld [smem:$0x3FB3]  }
0x2d: {  	s3 =	simm.s32 $0x108;
	s8 =	sld [smem:$0x3FB4]  }
0x2e: {  	s3 =	simm.s32 @!p0 $0x1082;
	s9 =	sld [smem:$0x3FB5]  }
0x2f: {  	lr =	sadd.s32 s0, s3;
	s0 =	sld [smem:$0x3FAC]  }
0x30: {  	s3 =	sld [smem:$0x3FAF]  }
0x31: {  	[smem:$0x3FB8] =	sst s10  }
0x32: {  	s10 =	sld [smem:$0x3FB6];
	_ =	sdelay $0x3  }
0x33: {  	p0 =	seq.s32 s10, $0x1;
	s10 =	sld [smem:$0x3FB8];
	_ =	sdelay $0x3  }
0x34: {  	[smem:$0x3FB8] =	sst s10  }
0x35: {  	s10 =	sld [smem:$0x3FB7];
	_ =	sdelay $0x3  }
0x36: {  	p1 =	seq.s32 s10, $0x1;
	s10 =	sld [smem:$0x3FB8];
	_ =	sdelay $0x3  }
0x37: {  	[smem:$0x3FB8] =	sst s10  }
0x38: {  	s10 =	sld [smem:$0x3FB9]  }
0x39: {  	_ = 	snop;
	(pc) =	sbr.ind lr, $3  }
0x3a: {  	_ = 	snop  }
0x3b: {  	_ = 	snop  }
0x3c: {  	p2 =	seq.s32 s10, $0x1;
	s10 =	sld [smem:$0x3FB8]  }
0x3d: {  	_ =	shalt  }
0x3e: {  	_ =	shalt  }
0x3f: {  	_ =	shalt  }
0x40: {  	_ =	shalt  }
0x41: {  	_ =	shalt  }
0x42: {  	_ =	shalt  }
0x43: {  	_ =	shalt  }
0x44: {  	_ =	shalt  }
0x45: {  	_ =	shalt  }
0x46: {  	_ =	shalt  }
0x47: {  	_ =	shalt  }
0x48: {  	_ =	shalt  }
0x49: {  	_ =	shalt  }
0x4a: {  	_ =	shalt  }
0x4b: {  	_ =	shalt  }
0x4c: {  	_ =	shalt  }
0x4d: {  	_ =	shalt  }
0x4e: {  	_ =	shalt  }
0x4f: {  	_ =	shalt  }
0x50: {  	_ =	shalt  }
0x51: {  	_ =	shalt  }
0x52: {  	_ =	shalt  }
0x53: {  	_ =	shalt  }
0x54: {  	_ =	shalt  }
0x55: {  	_ =	shalt  }
0x56: {  	_ =	shalt  }
0x57: {  	_ =	shalt  }
0x58: {  	_ =	shalt  }
0x59: {  	_ =	shalt  }
0x5a: {  	_ =	shalt  }
0x5b: {  	_ =	shalt  }
0x5c: {  	_ =	shalt  }
0x5d: {  	_ =	shalt  }
0x5e: {  	_ =	shalt  }
0x5f: {  	_ =	shalt  }
0x60: {  	_ =	shalt  }
0x61: {  	_ =	shalt  }
0x62: {  	_ =	shalt  }
0x63: {  	_ =	shalt  }
0x64: {  	_ =	shalt  }
0x65: {  	_ =	shalt  }
0x66: {  	_ =	shalt  }
0x67: {  	_ =	shalt  }
0x68: {  	_ =	shalt  }
0x69: {  	_ =	shalt  }
0x6a: {  	_ =	shalt  }
0x6b: {  	_ =	shalt  }
0x6c: {  	_ =	shalt  }
0x6d: {  	_ =	shalt  }
0x6e: {  	_ =	shalt  }
0x6f: {  	_ =	shalt  }
0x70: {  	_ =	shalt  }
0x71: {  	_ =	shalt  }
0x72: {  	_ =	shalt  }
0x73: {  	_ =	shalt  }
0x74: {  	_ =	shalt  }
0x75: {  	_ =	shalt  }
0x76: {  	_ =	shalt  }
0x77: {  	_ =	shalt  }
0x78: {  	_ =	shalt  }
0x79: {  	_ =	shalt  }
0x7a: {  	_ =	shalt  }
0x7b: {  	_ =	shalt  }
0x7c: {  	_ =	shalt  }
0x7d: {  	_ =	shalt  }
0x7e: {  	_ =	shalt  }
0x7f: {  	_ =	shalt  }
0x80: {  	_ =	shalt  }
0x81: {  	_ =	shalt  }
0x82: {  	_ =	shalt  }
0x83: {  	_ =	shalt  }
0x84: {  	_ =	shalt  }
0x85: {  	_ =	shalt  }
0x86: {  	_ =	shalt  }
0x87: {  	_ =	shalt  }
.Lfunc_end0:
.L_simem_size_0:
called_computation_lowered:
.L_overlay_start_0:
0x88: {  	s2 =	sld [smem:$0x3FD9]  }
0x89: {  	s3 =	sld [smem:$0x3FFE];
	_ =	sdelay $0x1  }
0x8a: {  	s1 =	srdreg.scid  }
0x8b: {  	s0 =	sand.u32 $0x1, s1  }
0x8c: {  	s16 =	sshll.u32 s0, $0xA;
	s2 =	sadd.s32 s3, s2  }
0x8d: {  	s2 =	sadd.s32 s2, s16  }
0x8e: {  	[smem:$0x3FC4] =	sst s2  }
0x8f: {  	_ = 	snop  }
0x90: {  	(tm) =	ssettm $0x1  }
0x91: {  	s17 =	sld [smem:$0x3FFB];
	_ =	sdelay $0x3  }
0x92: {  	_ =	strace s17  }
0x93: {  	s2 =	sld [smem:$0x3FFC];
	_ =	sdelay $0x3  }
0x94: {  	_ =	strace s2  }
0x95: {  	s2 =	sld [smem:$0x3FFD];
	_ =	sdelay $0x3  }
0x96: {  	_ =	strace s2  }
0x97: {  	_ =	strace $0x8FFFFFFF  }
0x98: {  	s18 =	sld [smem:$0x3FDB];
	_ =	sdelay $0x1  }
0x99: {  	s19 =	simm.s32 $_scs_section_size  }
0x9a: {  	s4 =	simm.s32 $_size__tile_overlayer_lowered;
	s5 =	simm.s32 $_tile_overlayer_lowered  }
0x9b: {  	s22 =	simm.s32 $0x1BFF;
	s21 =	sshll.u32 s5, $0x1;
	s2 =	sadd.s32 s19, s18  }
0x9c: {  	s6 =	simm.s32 $0x0;
	s20 =	sshll.u32 s4, $0x1;
	s4 =	sadd.s32 s21, s2  }
0x9d: {  	[timem:s6], [sflag:s22] =	dma.local [hbm:s4], s20  }
0x9e: {  	_ =	swait.ge [sflag:s22], s20  }
0x9f: {  	s3 =	ssub.s32 $0x0, s20;
	[sflag:s22] =	ssyncset.done $0x0  }
0xa0: {  	[sflag:s22] =	ssyncadd.s32 s3;
	_ =	sdelay $0x1  }
0xa1: {  	s23 =	simm.s32 $0x1B8B  }
0xa2: {  	_ =	swait.ge [sflag:s23], $0x1  }
0xa3: {  	[sflag:s23] =	ssyncset.done $0x0  }
0xa4: {  	s25 =	simm.s32 $0x1B8E;
	s24 =	sld [smem:$0x3FFE];
	[sflag:s23] =	ssyncadd.s32 $0xFFFFFFFF  }
0xa5: {  	s26 =	simm.s32 $execute0_lowered;
	[smem:$0x3FD2] =	sst s25  }
0xa6: {  	s4 =	sshll.u32 s26, $0x1;
	_ =	strace $0x80000046;
	[dreg:$0x1] =	wrdreg $0xFFFFFFFF  }
0xa7: {  	s28 =	simm.s32 $_size_execute0_lowered;
	s2 =	sadd.s32 s2, s4;
	[dreg:$0x0] =	wrdreg $0x0  }
0xa8: {  	s4 =	sshll.u32 s28, $0x1;
	[dreg:$0x2] =	wrdreg s2  }
0xa9: {  	[dreg:$0x3] =	wrdreg s4  }
0xaa: {  	[dreg:$0x4] =	wrdreg $0xC0  }
0xab: {  	_ =	task [dreg:s6], $0x5FFFF  }
0xac: {  	[dreg:$0x1] =	wrdreg $0xFFFFFFFF  }
0xad: {  	[dreg:$0x0] =	wrdreg $0x60  }
0xae: {  	[dreg:$0x2] =	wrdreg s24  }
0xaf: {  	[dreg:$0x3] =	wrdreg $0x9  }
0xb0: {  	_ =	task.clear_ibuf [dreg:s6], $0x4FFFF;
	_ =	strace $0x90000046  }
0xb1: {  	s29 =	simm.s32 $0x9;
	_ =	strace $0x80000048  }
0xb2: {  	_ =	swait.ge [sflag:s29], $0x1  }
0xb3: {  	[sflag:s29] =	ssyncadd.s32 $0xFFFFFFFF  }
0xb4: {  	_ =	strace $0x90000048  }
0xb5: {  	_ =	sfence  }
0xb6: {  	s30 =	sld [smem:$0x0];
	_ =	sdelay $0x2  }
0xb7: {  	s31 =	sshll.u32 s1, $0xD;
	s1 =	sshrl.u32 s1, $0x2  }
0xb8: {  	s3 =	sand.u32 $0x4000, s31;
	s1 =	sadd.s32 s1, s30  }
0xb9: {  	s0 =	sor.u32 s3, s0;
	s1 =	sshll.u32 s1, $0x11  }
0xba: {  	s0 =	sor.u32 s1, s0  }
0xbb: {  	s0 =	sadd.s32 $0x8F2B, s0  }
0xbc: {  	[sflag:s0] =	ssyncadd.remote.s32 $0x1  }
0xbd: {  	_ =	sfence.sel $0xFFFF  }
0xbe: {  	[dreg:$0x0] =	wrdreg $0xFFFFFFFF;
	(pc) =	sbr.abs _section_cstart, $3  }
0xbf: {  	[dreg:$0x1] =	wrdreg $0xFFFFFFFF  }
0xc0: {  	_ =	task.clear_ibuf [dreg:s6], $0x2FFFF;
	_ =	strace $0x9FFFFFFF  }
0xc1: {  	(tm) =	ssettm $0x7FFFFFFF  }
tec
execute0_lowered:
.L_overlay_start_1:
0x0: {  	(tag) =	ssettag $0x1  }
0x1: {  	s7 =	rddreg [dreg:$0x0]  }
0x2: {  	s0 =	rddreg [dreg:$0x1];
	_ =	strace $0x80000047  }
0x3: {  	s1 =	srdreg.scid;
	s4 =	simm.s32 $0x1;
	s9 =	simm.s32 $0x3  }
0x4: {  	s12 =	simm.s32 $0x0;
	s10 =	simm.s32 $0x0;
	s5 =	sshll.u32 s1, $0x4  }
.Ltmp0:
0x5: {  	s1 =	stileid.u32;
	s5 =	sand.u32 $0x10, s5;
	(pc) =	sbr.rel .LBB2_1-.Ltmp0, $4  }
0x6: {  	s2 =	sadd.s32 $0x1600, s7;
	s3 =	sadd.s32 $0x1400, s7;
	s6 =	sor.u32 s1, s5  }
0x7: {  	[sflag:s4] =	ssyncpa.u1 $0x0;
	s5 =	simm.s32 $0x2;
	s6 =	sshll.u32 s6, $0x7  }
0x8: {  	s7 =	sadd.s32 $0x31600, s7;
	[sflag:s5] =	ssyncpa.u1 $0x0;
	s8 =	sadd.s32 $0x80, s6  }
0x9: {  	vm0 =	vmmov $0xff;
	vm1 =	vcmask $0x3F20;
	[sflag:s9] =	ssyncpa.u1 $0x0;
	s9 =	simm.s32 $0x80;
	s11 =	smov.u32 s6  }
.LBB2_11:
0xa: {  	p0 =	seq.s32 s10, $0x2  }
.Ltmp1:
0xb: {  	_ = 	snop;
	(pc) =	sbr.rel @p0 .LBB2_13-.Ltmp1, $1  }
0xc: {  	_ =	sdelay $0x3  }
.LBB2_12:
0xd: {  	s12 =	sadd.s32 $0x80, s11  }
0xe: {  	s13 =	smov.u32 s6;
	p0 =	slt.s32 s12, s8  }
0xf: {  	s13 =	smov.u32 @p0 s12  }
0x10: {  	s10 =	sadd.s32 $0x1, s10;
	s12 =	smov.u32 s11;
	s11 =	smov.u32 s13  }
.LBB2_1:
0x11: {  	p0 =	sne.s32 s10, $0x0  }
.Ltmp2:
0x12: {  	_ = 	snop;
	(pc) =	sbr.rel @!p0 .LBB2_2-.Ltmp2, $1  }
0x13: {  	_ =	sdelay $0x3  }
0x14: {  	s13 =	sand.u32 $0x1, s10  }
0x15: {  	p0 =	seq.s32 s13, $0x0  }
.Ltmp3:
0x16: {  	_ = 	snop;
	(pc) =	sbr.rel @p0 .LBB2_11-.Ltmp3, $1  }
0x17: {  	_ =	sdelay $0x3  }
0x18: {  	_ =	swait.ge [sflag:s5], $0x80  }
0x19: {  	[sflag:s5] =	ssyncset.done $0x0  }
0x1a: {  	s13 =	simm.s32 $0x0;
	s14 =	simm.s32 $0x100;
	[sflag:s5] =	ssyncadd.s32 $0xFFFFFF80  }
.LBB2_5:
0x1b: {  	s15 =	sshll.u32 s13, $0x4  }
0x1c: {  	s15 =	sand.u32 $0x3FFFFFF0, s15  }
0x1d: {  	v0 =	vld.msk [tilespmem:s15+$0x80 ss:$0x1], $0xffff;
	_ =	sdelay $0x4  }
0x1e: {  	vm2 =	vgt.s32 v0, $0x0  }
0x1f: {  	v0 =	vnsel vm2, $0x0, v0  }
0x20: {  	v0 =	vmin.u32 v0, $0xFFF  }
0x21: {  	v1 =	vshrl.u32 v0, $0x3  }
0x22: {  	v0 =	vshll.u32 v0, $0x7;
	v1 =	vmul.u32 $0xC00, v1  }
0x23: {  	v0 =	vand.u32 $0x380, v0  }
0x24: {  	v0 =	vor.u32 v0, v1  }
0x25: {  	v0 =	vshrl.u32 v0, $0x3;
	_ =	sdelay $0x2  }
0x26: {  	s16 =	sadd.s32 $0xFFFFF400, s14  }
0x27: {  	s31 =	sadd.s32 $0xCC00, s16;
	s16 =	sadd.s32 $0xD800, s16;
	s15 =	simm.s32 $0xFFFFE000  }
0x28: {  	v1 =	vadd.s32 $0x80, v0;
	[tilespmem:s31], [sflag:$0x1] =	stream.indirect_vreg.gather [hbm:s2], $0x80, v0, vm0, $0x38;
	[tilespmem:$0x18100] =	vst v63  }
.LBB2_6:
0x29: {  	[tilespmem:s16], [sflag:$0x1] =	stream.indirect_vreg.gather [hbm:s2], $0x80, v0, vm1, $0x38;
	[tilespmem:$0x18100] =	vst v63  }
0x2a: {  	v0 =	vmov v1;
	p0 =	sne.s32 s15, $0xFFFFF000  }
.Ltmp4:
0x2b: {  	s16 =	sshra.s32 s15, $0x2;
	(pc) =	sbr.rel @p0 .LBB2_6-.Ltmp4, $4  }
0x2c: {  	s15 =	sadd.s32 $0x1000, s15;
	s16 =	sadd.s32 s16, s14  }
0x2d: {  	s17 =	sadd.s32 $0xCC00, s16  }
0x2e: {  	[tilespmem:s17], [sflag:$0x1] =	stream.indirect_vreg.gather [hbm:s2], $0x80, v1, vm0, $0x38;
	[tilespmem:$0x18100] =	vst v63  }
0x2f: {  	s16 =	sadd.s32 $0xD800, s16;
	v1 =	vadd.s32 $0x80, v1  }
0x30: {  	s13 =	sadd.s32 $0x1, s13  }
0x31: {  	p0 =	sne.s32 s13, $0x8  }
.Ltmp5:
0x32: {  	_ = 	snop;
	(pc) =	sbr.rel @p0 .LBB2_5-.Ltmp5, $3  }
0x33: {  	_ =	sdelay $0x1  }
0x34: {  	[tilespmem:s16], [sflag:$0x1] =	stream.indirect_vreg.gather [hbm:s2], $0x80, v0, vm1, $0x38;
	[tilespmem:$0x18100] =	vst v63  }
0x35: {  	s14 =	sadd.s32 $0x1800, s14  }
0x36: {  	s13 =	sshrl.u32 s12, $0x3  }
0x37: {  	s13 =	smul.u32 $0x180, s13  }
0x38: {  	_ =	swait.ge [sflag:s4], $0xC000;
	s31 =	sshll.u32 s12, $0x4  }
0x39: {  	s14 =	simm.s32 $0x180;
	s12 =	sand.u32 $0x70, s31;
	s13 =	sadd.s32 s13, s7  }
0x3a: {  	s15 =	simm.s32 $0xCD00;
	[sflag:s4] =	ssyncset.done $0x0;
	s12 =	sadd.s32 s12, s13  }
0x3b: {  	[sflag:s4] =	ssyncadd.s32 $0xFFFF4000;
	s13 =	simm.s32 $0xC100;
	s16 =	sadd.s32 $0x0, s12  }
.LBB2_9:
0x3c: {  	[hbm:s16] =	stream.linear.scatter [tilespmem:s13], [sflag:$0x3], $0xC00, $0x38;
	[tilespmem:$0x18100] =	vst v63  }
0x3d: {  	s16 =	smov.u32 s14;
	s13 =	smov.u32 s15;
	p0 =	sne.s32 s14, $0x1680  }
.Ltmp6:
0x3e: {  	s14 =	sadd.s32 $0x180, s14;
	(pc) =	sbr.rel @p0 .LBB2_9-.Ltmp6, $2  }
0x3f: {  	_ =	sdelay $0x2  }
0x40: {  	s15 =	sadd.s32 $0xC00, s15;
	s16 =	sadd.s32 s16, s12  }
.Ltmp7:
0x41: {  	(pc) =	sbr.rel .LBB2_11-.Ltmp7, $2  }
0x42: {  	_ =	sdelay $0x2  }
0x43: {  	[hbm:s16] =	stream.linear.scatter [tilespmem:s13], [sflag:$0x3], $0xC00, $0x38;
	[tilespmem:$0x18100] =	vst v63  }
.LBB2_2:
.Ltmp8:
0x44: {  	(pc) =	sbr.rel .LBB2_12-.Ltmp8, $4  }
0x45: {  	_ = 	snop  }
0x46: {  	s12 =	sshrl.u32 s11, $0x3  }
0x47: {  	s13 =	sand.u32 $0x7, s11;
	s12 =	sadd.s32 s3, s12  }
0x48: {  	[tilespmem:s9], [sflag:$0x2] =	stream.linear.gather [hbm4b:s12+s13], $0x80, $0x38;
	[tilespmem:$0x18100] =	vst v63  }
.LBB2_13:
0x49: {  	s2 =	simm.s32 $0x3  }
0x4a: {  	_ =	swait.ge [sflag:s2], $0xC000  }
0x4b: {  	[sflag:s2] =	ssyncset.done $0x0  }
0x4c: {  	[sflag:s2] =	ssyncadd.s32 $0xFFFF4000  }
0x4d: {  	_ =	sfence.sel $0x180000  }
0x4e: {  	s3 =	simm.s32 $0x2;
	[bflag:$0x0] =	sbarrier.arrive $0xFFFF  }
0x4f: {  	[sflag:s3] =	ssyncpa.u1 $0x1  }
0x50: {  	s31 =	simm.s32 $0x1;
	[sflag:s2] =	ssyncpa.u1 $0x1  }
0x51: {  	[sflag:s31] =	ssyncpa.u1 $0x1  }
0x52: {  	p0 =	sne.s32 s1, $0x0;
	_ =	strace $0x90000047  }
0x53: {  	s0 =	sadd.s32 @!p0 $0x100000, s0;
	[bflag:$0x2] =	sbarrier.arrive $0xFFFF  }
0x54: {  	[sflag:s0] =	ssyncadd.tile.s32 @!p0 $0x1;
	_ =	shalt  }
.Lfunc_end2:
_tile_overlayer_lowered:
.L_overlay_start_2:
0x55: {  	(tag) =	ssettag $0x2  }
0x56: {  	s0 =	rddreg [dreg:$0x0];
	s2 =	stileid.u32  }
0x57: {  	s1 =	rddreg [dreg:$0x1];
	p0 =	sne.s32 s2, $0x0  }
0x58: {  	s3 =	rddreg [dreg:$0x2];
	[bflag:$0x3] =	sbarrier.arrive $0xFFFF;
	s2 =	simm.s32 @!p0 $0x1C01  }
0x59: {  	[timem:s3], [sflag:s2] =	dma.local @!p0 [hbm:s0], s1  }
0x5a: {  	s0 =	simm.s32 @!p0 $0x1  }
0x5b: {  	_ =	swait.ge @!p0 [sflag:s0], s1  }
0x5c: {  	s1 =	ssub.s32 @!p0 $0x0, s1;
	[sflag:s0] =	ssyncset.done @!p0 $0x0  }
0x5d: {  	[sflag:s0] =	ssyncadd.s32 @!p0 s1  }
0x5e: {  	[bflag:$0x3] =	sbarrier.arrive $0xFFFF  }
0x5f: {  	_ =	shalt  }

</sc_bundles>
